<compile_context>
chip_gen: v7x
topology: tpu7x:2x2x1
jax: 0.10.2.dev20260603
libtpu: 0.0.44.dev20260713+nightly
codegen_flags: <defaults>
</compile_context>

<pallas_src>
import functools

import jax
import jax.numpy as jnp
from jax import lax
from jax.experimental import pallas as pl
from jax.experimental.pallas import tpu as pltpu
from jax.experimental.pallas import tpu_sc as plsc

_RA = 256
_RB = 256


def _contract(a, w):
    return jax.lax.dot_general(a, w, (((1,), (1,)), ((), ())),
                               preferred_element_type=jnp.float32)


def _mm(a, b):
    return jax.lax.dot_general(a, b, (((1,), (0,)), ((), ())),
                               preferred_element_type=jnp.float32)


def _expand_mat(K, V):
    i = jnp.arange(K * V)
    return (i[None, :] // V == jnp.arange(K)[:, None]).astype(jnp.float32)


def _slab_out(q, slab, e, f, bagg):
    qexp = _mm(q, e)
    return _mm(qexp * slab, f) + bagg


def _gather_rows(query, idx):
    n = idx.shape[0]
    d = query.shape[1]
    info = plsc.get_sparse_core_info()
    nw = info.num_cores * info.num_subcores
    bpw = n // nw
    mesh = plsc.VectorSubcoreMesh(core_axis_name="c", subcore_axis_name="s")

    @functools.partial(
        pl.kernel,
        out_type=jax.ShapeDtypeStruct((n, d), jnp.float32),
        mesh=mesh,
        scratch_types=[
            pltpu.VMEM((bpw,), jnp.int32),
            pltpu.VMEM((bpw, d), jnp.float32),
            pltpu.SemaphoreType.DMA,
        ],
    )
    def k(query_hbm, idx_hbm, out_hbm, idx_v, rows_v, sem):
        wid = lax.axis_index("s") * info.num_cores + lax.axis_index("c")
        base = wid * bpw
        pltpu.sync_copy(idx_hbm.at[pl.ds(base, bpw)], idx_v)
        pltpu.async_copy(query_hbm.at[idx_v], rows_v, sem).wait()
        pltpu.sync_copy(rows_v, out_hbm.at[pl.ds(base, bpw)])

    return k(query, idx)


def _body(idx_ref, q_ref, w_ref, qrows_ref, par_ref, nm_ref, wq_ref, bq_ref,
          e_ref, f_ref, bagg_ref, out_ref, rows_ref):
    i = pl.program_id(0)
    nd = pl.num_programs(0) - 4096 // _RB

    @pl.when(i < nd)
    def _dense():
        q = _contract(q_ref[...], wq_ref[...]) + bq_ref[...]
        res = _slab_out(q, w_ref[...], e_ref[...], f_ref[...], bagg_ref[...])
        out_ref[pl.ds(i * _RA, _RA), :] = res

    @pl.when(i >= nd)
    def _fix():
        qpair = qrows_ref[...]
        qsel = jnp.where(par_ref[...] == 0, qpair[:, :64], qpair[:, 64:])
        q = _contract(qsel, wq_ref[...]) + bq_ref[...]
        rows_ref[...] = _slab_out(q, nm_ref[...], e_ref[...], f_ref[...],
                                  bagg_ref[...])
        base = (i - nd) * _RB

        def scatter_one(s, _):
            idx = idx_ref[base + s]
            out_ref[pl.ds(idx, 1), :] = rows_ref[pl.ds(s, 1), :]
            return 0

        jax.lax.fori_loop(0, _RB, scatter_one, 0)


def kernel(w_assoc, new_mem, query, done_idx, W_q, b_q, W_agg, b_agg):
    B, K, V = w_assoc.shape
    N = new_mem.shape[0]
    KV = K * V
    bq2 = b_q.reshape(1, K)
    bagg2 = b_agg.reshape(1, V)
    idx = done_idx.astype(jnp.int32)
    w2 = w_assoc.reshape(B, KV)
    nm2 = new_mem.reshape(N, KV)
    E = _expand_mat(K, V)
    F = jnp.tile(W_agg.T, (K, 1))

    qrows = _gather_rows(query.reshape(B // 2, 2 * K), idx // 2)
    par = (idx % 2).reshape(N, 1)

    nd = B // _RA
    nf = N // _RB
    last = nd - 1

    out = pl.pallas_call(
        _body,
        grid=(nd + nf,),
        in_specs=[
            pl.BlockSpec(memory_space=pltpu.SMEM),
            pl.BlockSpec((_RA, K), lambda i: (jnp.minimum(i, nd - 1), 0)),
            pl.BlockSpec((_RA, KV), lambda i: (jnp.minimum(i, nd - 1), 0)),
            pl.BlockSpec((_RB, 2 * K), lambda i: (jnp.maximum(i - nd, 0), 0)),
            pl.BlockSpec((_RB, 1), lambda i: (jnp.maximum(i - nd, 0), 0)),
            pl.BlockSpec((_RB, KV), lambda i: (jnp.maximum(i - nd, 0), 0)),
            pl.BlockSpec((K, K), lambda i: (0, 0)),
            pl.BlockSpec((1, K), lambda i: (0, 0)),
            pl.BlockSpec((K, KV), lambda i: (0, 0)),
            pl.BlockSpec((KV, V), lambda i: (0, 0)),
            pl.BlockSpec((1, V), lambda i: (0, 0)),
        ],
        out_specs=pl.BlockSpec((B, V), lambda i: (0, 0)),
        out_shape=jax.ShapeDtypeStruct((B, V), jnp.float32),
        scratch_shapes=[
            pltpu.VMEM((_RB, V), jnp.float32),
        ],
    )(idx, query, w2, qrows, par, nm2, W_q, bq2, E, F, bagg2)
    return out

# --- scband reference (transcript-rebuilt; emitter-appended) ---
"""Pipeline reference for scband-hebbian-56246891708778 (READ-ONLY COPY).

The authoritative reference and input builder live on the scoring server;
editing this copy changes nothing except your own understanding.
"""

import jax, jax.numpy as jnp
import numpy as np

B_MEM = 16384
N_WRITE = 4096
KEY = 64
VAL = 64
H = 1


def setup_inputs(seed: int = 0) -> dict:
    key = jax.random.key(seed)
    ks = jax.random.split(key, 8)
    w_assoc = jax.random.normal(ks[0], (B_MEM, KEY, VAL), dtype=jnp.float32) * 0.1
    new_mem = jax.random.normal(ks[1], (N_WRITE, KEY, VAL), dtype=jnp.float32) * 0.1
    query = jax.random.normal(ks[2], (B_MEM, KEY), dtype=jnp.float32)
    done_idx = jax.random.randint(ks[3], (N_WRITE,), 0, B_MEM, dtype=jnp.int64 if jax.config.read('jax_enable_x64') else jnp.int32)
    # learned params: query_encoder (key_size -> H*key_size) and value_aggregator (H*value_size -> value_size)
    W_q = jax.random.normal(ks[4], (H * KEY, KEY), dtype=jnp.float32) * 0.05
    b_q = jnp.zeros((H * KEY,), dtype=jnp.float32)
    W_agg = jax.random.normal(ks[5], (VAL, H * VAL), dtype=jnp.float32) * 0.05
    b_agg = jnp.zeros((VAL,), dtype=jnp.float32)
    return {"w_assoc": w_assoc, "new_mem": new_mem, "query": query, "done_idx": done_idx, "W_q": W_q, "b_q": b_q, "W_agg": W_agg, "b_agg": b_agg}


def reference(w_assoc, new_mem, query, done_idx, W_q, b_q, W_agg, b_agg):
    # Hebbian.reset: scatter-overwrite completed tasks' associative memory slabs
    # torch: self.w_assoc[done_task_idx] = tmp
    w = w_assoc.at[done_idx].set(new_mem)
    # Hebbian.read: query = self.query_encoder(query).reshape(-1, num_head, key_size)
    q = query @ W_q.T + b_q
    q = q.reshape(-1, H, KEY)
    # value = torch.bmm(query, w_assoc)
    value = jnp.einsum('bhk,bkv->bhv', q, w)
    # value = value.reshape(batch_size, num_head * value_size); value_aggregator
    value = value.reshape(-1, H * VAL)
    out = value @ W_agg.T + b_agg
    return out

if __name__ == "__main__":
    import jax
    _d = setup_inputs()
    print(jax.jit(kernel)(*tuple(_d.values())))

</pallas_src>

<mosaic_0001>
#map = affine_map<(d0, d1) -> (0, 0)>
#map1 = affine_map<(d0, d1) -> (0)>
module attributes {stable_mosaic.version = 14 : i64} {
  func.func @k(%arg0: i32, %arg1: i32, %arg2: memref<8192x128xf32, #tpu.memory_space<hbm>>, %arg3: memref<4096xi32, #tpu.memory_space<hbm>>, %arg4: memref<4096x128xf32, #tpu.memory_space<hbm>>, %arg5: memref<128xi32, #tpu.memory_space<vmem>>, %arg6: memref<128x128xf32, #tpu.memory_space<vmem>>, %arg7: memref<!tpu.dma_semaphore, #tpu.memory_space<semaphore_mem>>) attributes {dimension_semantics = [#tpu.dimension_semantics<core_parallel>, #tpu.dimension_semantics<subcore_parallel>], iteration_bounds = array<i64: 2, 16>, scalar_prefetch = 0 : i64, scratch_operands = 3 : i64, tpu.core_type = #tpu.core_type<sc_vector_subcore>, window_params = [{transform_indices = #map}, {transform_indices = #map1}, {transform_indices = #map}]} {
    %mul3A = arith.constant 2 : i32
    %mul3A_0 = arith.muli %arg1, %mul3A : i32
    %add3A = arith.addi %mul3A_0, %arg0 : i32
    %mul3A_1 = arith.constant 128 : i32
    %mul3A_2 = arith.muli %add3A, %mul3A_1 : i32
    "tpu.region"() ({
      %run_scoped3A = tpu.sem_alloc : memref<!tpu.dma_semaphore, #tpu.memory_space<semaphore_mem>>
      %dma_start3A_7 = tpu.memref_slice %arg3[%mul3A_2] : memref<4096xi32, #tpu.memory_space<hbm>> -> memref<128xi32, #tpu.memory_space<hbm>>
      %dma_start3A_8 = tpu.memref_slice %arg3[%mul3A_2] : memref<4096xi32, #tpu.memory_space<hbm>> -> memref<128xi32, #tpu.memory_space<hbm>>
      tpu.enqueue_dma source(%dma_start3A_8 : memref<128xi32, #tpu.memory_space<hbm>>) target(%arg5 : memref<128xi32, #tpu.memory_space<vmem>>) target_semaphore(%run_scoped3A : memref<!tpu.dma_semaphore, #tpu.memory_space<semaphore_mem>>)
      %dma_wait3A_9 = tpu.memref_slice %arg3[%mul3A_2] : memref<4096xi32, #tpu.memory_space<hbm>> -> memref<128xi32, #tpu.memory_space<hbm>>
      %dma_wait3A_10 = tpu.memref_slice %arg3[%mul3A_2] : memref<4096xi32, #tpu.memory_space<hbm>> -> memref<128xi32, #tpu.memory_space<hbm>>
      tpu.wait_dma2 semaphore(%run_scoped3A : memref<!tpu.dma_semaphore, #tpu.memory_space<semaphore_mem>>) src(%dma_wait3A_10 : memref<128xi32, #tpu.memory_space<hbm>>) dst(%arg5 : memref<128xi32, #tpu.memory_space<vmem>>)
      tpu.yield
    }) : () -> ()
    %dma_start3A = arith.constant 0 : i32
    %dma_start3A_3 = arith.constant 0 : i32
    %dma_start3A_4 = tpu.memref_slice %arg2[%dma_start3A, %dma_start3A_3] : memref<8192x128xf32, #tpu.memory_space<hbm>> -> memref<8192x128xf32, #tpu.memory_space<hbm>>
    tpu.enqueue_indirect_dma source(%dma_start3A_4 : memref<8192x128xf32, #tpu.memory_space<hbm>>) target(%arg6 : memref<128x128xf32, #tpu.memory_space<vmem>>) offsets(%arg5 : memref<128xi32, #tpu.memory_space<vmem>>) semaphore(%arg7 : memref<!tpu.dma_semaphore, #tpu.memory_space<semaphore_mem>>)
    %dma_wait3A = arith.constant 0 : i32
    %dma_wait3A_5 = arith.constant 0 : i32
    %dma_wait3A_6 = tpu.memref_slice %arg2[%dma_wait3A, %dma_wait3A_5] : memref<8192x128xf32, #tpu.memory_space<hbm>> -> memref<8192x128xf32, #tpu.memory_space<hbm>>
    tpu.wait_indirect_dma semaphore(%arg7 : memref<!tpu.dma_semaphore, #tpu.memory_space<semaphore_mem>>) src(%dma_wait3A_6 : memref<8192x128xf32, #tpu.memory_space<hbm>>) dst(%arg6 : memref<128x128xf32, #tpu.memory_space<vmem>>)
    "tpu.region"() ({
      %run_scoped3A = tpu.sem_alloc : memref<!tpu.dma_semaphore, #tpu.memory_space<semaphore_mem>>
      %dma_start3A_7 = arith.constant 0 : i32
      %dma_start3A_8 = tpu.memref_slice %arg4[%mul3A_2, %dma_start3A_7] : memref<4096x128xf32, #tpu.memory_space<hbm>> -> memref<128x128xf32, #tpu.memory_space<hbm>>
      %dma_start3A_9 = arith.constant 0 : i32
      %dma_start3A_10 = tpu.memref_slice %arg4[%mul3A_2, %dma_start3A_9] : memref<4096x128xf32, #tpu.memory_space<hbm>> -> memref<128x128xf32, #tpu.memory_space<hbm>>
      tpu.enqueue_dma source(%arg6 : memref<128x128xf32, #tpu.memory_space<vmem>>) target(%dma_start3A_10 : memref<128x128xf32, #tpu.memory_space<hbm>>) target_semaphore(%run_scoped3A : memref<!tpu.dma_semaphore, #tpu.memory_space<semaphore_mem>>)
      %dma_wait3A_11 = arith.constant 0 : i32
      %dma_wait3A_12 = tpu.memref_slice %arg4[%mul3A_2, %dma_wait3A_11] : memref<4096x128xf32, #tpu.memory_space<hbm>> -> memref<128x128xf32, #tpu.memory_space<hbm>>
      %dma_wait3A_13 = arith.constant 0 : i32
      %dma_wait3A_14 = tpu.memref_slice %arg4[%mul3A_2, %dma_wait3A_13] : memref<4096x128xf32, #tpu.memory_space<hbm>> -> memref<128x128xf32, #tpu.memory_space<hbm>>
      tpu.wait_dma2 semaphore(%run_scoped3A : memref<!tpu.dma_semaphore, #tpu.memory_space<semaphore_mem>>) src(%arg6 : memref<128x128xf32, #tpu.memory_space<vmem>>) dst(%dma_wait3A_14 : memref<128x128xf32, #tpu.memory_space<hbm>>)
      tpu.yield
    }) : () -> ()
    return
  }
}

module attributes {stable_mosaic.version = 14 : i64} {
  func.func @_body(%arg0: i32, %arg1: memref<4096xi32, #tpu.memory_space<smem>>, %arg2: memref<256x64xf32, #tpu.memory_space<vmem>>, %arg3: memref<256x4096xf32, #tpu.memory_space<vmem>>, %arg4: memref<256x128xf32, #tpu.memory_space<vmem>>, %arg5: memref<256x1xi32, #tpu.memory_space<vmem>>, %arg6: memref<256x4096xf32, #tpu.memory_space<vmem>>, %arg7: memref<64x64xf32, #tpu.memory_space<vmem>>, %arg8: memref<1x64xf32, #tpu.memory_space<vmem>>, %arg9: memref<64x4096xf32, #tpu.memory_space<vmem>>, %arg10: memref<4096x64xf32, #tpu.memory_space<vmem>>, %arg11: memref<1x64xf32, #tpu.memory_space<vmem>>, %arg12: memref<16384x64xf32, #tpu.memory_space<vmem>>, %arg13: memref<256x64xf32, #tpu.memory_space<vmem>>) attributes {dimension_semantics = [#tpu.dimension_semantics<arbitrary>], iteration_bounds = array<i64: 80>, scalar_prefetch = 0 : i64, scratch_operands = 1 : i64, tpu.core_type = #tpu.core_type<tc>, window_params = [{transform_indices = @transform_0, window_bounds = array<i64: 4096>}, {transform_indices = @transform_1, window_bounds = array<i64: 256, 64>}, {transform_indices = @transform_2, window_bounds = array<i64: 256, 4096>}, {transform_indices = @transform_3, window_bounds = array<i64: 256, 128>}, {transform_indices = @transform_4, window_bounds = array<i64: 256, 1>}, {transform_indices = @transform_5, window_bounds = array<i64: 256, 4096>}, {pipeline_mode = #tpu.pipeline_mode<synchronous>, transform_indices = @transform_6, window_bounds = array<i64: 64, 64>}, {pipeline_mode = #tpu.pipeline_mode<synchronous>, transform_indices = @transform_7, window_bounds = array<i64: 1, 64>}, {pipeline_mode = #tpu.pipeline_mode<synchronous>, transform_indices = @transform_8, window_bounds = array<i64: 64, 4096>}, {pipeline_mode = #tpu.pipeline_mode<synchronous>, transform_indices = @transform_9, window_bounds = array<i64: 4096, 64>}, {pipeline_mode = #tpu.pipeline_mode<synchronous>, transform_indices = @transform_10, window_bounds = array<i64: 1, 64>}, {pipeline_mode = #tpu.pipeline_mode<synchronous>, transform_indices = @transform_11, window_bounds = array<i64: 16384, 64>}]} {
    %lt3A = arith.constant 64 : i32
    %lt3A_0 = arith.cmpi slt, %arg0, %lt3A : i32
    %convert_element_type3A = arith.extui %lt3A_0 : i1 to i32
    %cond3A = arith.constant 0 : i32
    %cond3A_1 = arith.cmpi ne, %convert_element_type3A, %cond3A : i32
    scf.if %cond3A_1 {
      %get3A = arith.constant 0 : index
      %get3A_6 = arith.constant 0 : index
      %get3A_7 = vector.load %arg2[%get3A, %get3A_6] : memref<256x64xf32, #tpu.memory_space<vmem>>, vector<256x64xf32>
      %get3A_8 = arith.constant 0 : index
      %get3A_9 = arith.constant 0 : index
      %get3A_10 = vector.load %arg7[%get3A_8, %get3A_9] : memref<64x64xf32, #tpu.memory_space<vmem>>, vector<64x64xf32>
      %dot_general3A = arith.constant dense<0.000000e+00> : vector<256x64xf32>
      %dot_general3A_11 = tpu.matmul %get3A_7, %get3A_10, %dot_general3A {dimension_numbers = #tpu.dot_dimension_numbers<[1], [1], [0], [0], [0, 0, 1, 0], [], []>, transpose_lhs_hint = false} : vector<256x64xf32>, vector<64x64xf32>, vector<256x64xf32> -> vector<256x64xf32>
      %get3A_12 = arith.constant 0 : index
      %get3A_13 = arith.constant 0 : index
      %get3A_14 = vector.load %arg8[%get3A_12, %get3A_13] : memref<1x64xf32, #tpu.memory_space<vmem>>, vector<1x64xf32>
      %add3A = vector.broadcast %get3A_14 : vector<1x64xf32> to vector<256x64xf32>
      %add3A_15 = arith.addf %dot_general3A_11, %add3A : vector<256x64xf32>
      %get3A_16 = arith.constant 0 : index
      %get3A_17 = arith.constant 0 : index
      %get3A_18 = vector.load %arg3[%get3A_16, %get3A_17] : memref<256x4096xf32, #tpu.memory_space<vmem>>, vector<256x4096xf32>
      %get3A_19 = arith.constant 0 : index
      %get3A_20 = arith.constant 0 : index
      %get3A_21 = vector.load %arg9[%get3A_19, %get3A_20] : memref<64x4096xf32, #tpu.memory_space<vmem>>, vector<64x4096xf32>
      %get3A_22 = arith.constant 0 : index
      %get3A_23 = arith.constant 0 : index
      %get3A_24 = vector.load %arg10[%get3A_22, %get3A_23] : memref<4096x64xf32, #tpu.memory_space<vmem>>, vector<4096x64xf32>
      %get3A_25 = arith.constant 0 : index
      %get3A_26 = arith.constant 0 : index
      %get3A_27 = vector.load %arg11[%get3A_25, %get3A_26] : memref<1x64xf32, #tpu.memory_space<vmem>>, vector<1x64xf32>
      %dot_general3A_28 = arith.constant dense<0.000000e+00> : vector<256x4096xf32>
      %dot_general3A_29 = tpu.matmul %add3A_15, %get3A_21, %dot_general3A_28 {dimension_numbers = #tpu.dot_dimension_numbers<[1], [0], [0], [1], [0, 0, 1, 1], [], []>, transpose_lhs_hint = false} : vector<256x64xf32>, vector<64x4096xf32>, vector<256x4096xf32> -> vector<256x4096xf32>
      %mul3A = arith.mulf %dot_general3A_29, %get3A_18 : vector<256x4096xf32>
      %dot_general3A_30 = arith.constant dense<0.000000e+00> : vector<256x64xf32>
      %dot_general3A_31 = tpu.matmul %mul3A, %get3A_24, %dot_general3A_30 {dimension_numbers = #tpu.dot_dimension_numbers<[1], [0], [0], [1], [0, 0, 1, 1], [], []>, transpose_lhs_hint = false} : vector<256x4096xf32>, vector<4096x64xf32>, vector<256x64xf32> -> vector<256x64xf32>
      %add3A_32 = vector.broadcast %get3A_27 : vector<1x64xf32> to vector<256x64xf32>
      %add3A_33 = arith.addf %dot_general3A_31, %add3A_32 : vector<256x64xf32>
      %mul3A_34 = arith.constant 256 : i32
      %mul3A_35 = arith.muli %arg0, %mul3A_34 : i32
      %swap3A = arith.index_cast %mul3A_35 : i32 to index
      %swap3A_36 = arith.constant 0 : index
      %swap3A_37 = vector.load %arg12[%swap3A, %swap3A_36] : memref<16384x64xf32, #tpu.memory_space<vmem>>, vector<256x64xf32>
      tpu.vector_store %arg12[%swap3A, %swap3A_36], %add3A_33 {strides = array<i32>} : memref<16384x64xf32, #tpu.memory_space<vmem>>, vector<256x64xf32>,
    } else {
    }
    %ge3A = arith.constant 64 : i32
    %ge3A_2 = arith.cmpi sge, %arg0, %ge3A : i32
    %convert_element_type3A_3 = arith.extui %ge3A_2 : i1 to i32
    %cond3A_4 = arith.constant 0 : i32
    %cond3A_5 = arith.cmpi ne, %convert_element_type3A_3, %cond3A_4 : i32
    scf.if %cond3A_5 {
      %get3A = arith.constant 0 : index
      %get3A_6 = arith.constant 0 : index
      %get3A_7 = vector.load %arg4[%get3A, %get3A_6] : memref<256x128xf32, #tpu.memory_space<vmem>>, vector<256x128xf32>
      %get3A_8 = arith.constant 0 : index
      %get3A_9 = arith.constant 0 : index
      %get3A_10 = vector.load %arg5[%get3A_8, %get3A_9] : memref<256x1xi32, #tpu.memory_space<vmem>>, vector<256x1xi32>
      %eq3A = arith.constant 0 : i32
      %eq3A_11 = vector.broadcast %eq3A : i32 to vector<256x1xi32>
      %eq3A_12 = arith.cmpi eq, %get3A_10, %eq3A_11 : vector<256x1xi32>
      %slice3A = vector.extract_strided_slice %get3A_7 {offsets = [0, 0], sizes = [256, 64], strides = [1, 1]} : vector<256x128xf32> to vector<256x64xf32>
      %slice3A_13 = vector.extract_strided_slice %get3A_7 {offsets = [0, 64], sizes = [256, 64], strides = [1, 1]} : vector<256x128xf32> to vector<256x64xf32>
      %broadcast_in_dim3A = vector.shape_cast %eq3A_12 : vector<256x1xi1> to vector<256x1xi1>
      %broadcast_in_dim3A_14 = vector.broadcast %broadcast_in_dim3A : vector<256x1xi1> to vector<256x64xi1>
      %select_n3A = arith.select %broadcast_in_dim3A_14, %slice3A, %slice3A_13 : vector<256x64xi1>, vector<256x64xf32>
      %get3A_15 = arith.constant 0 : index
      %get3A_16 = arith.constant 0 : index
      %get3A_17 = vector.load %arg7[%get3A_15, %get3A_16] : memref<64x64xf32, #tpu.memory_space<vmem>>, vector<64x64xf32>
      %dot_general3A = arith.constant dense<0.000000e+00> : vector<256x64xf32>
      %dot_general3A_18 = tpu.matmul %select_n3A, %get3A_17, %dot_general3A {dimension_numbers = #tpu.dot_dimension_numbers<[1], [1], [0], [0], [0, 0, 1, 0], [], []>, transpose_lhs_hint = false} : vector<256x64xf32>, vector<64x64xf32>, vector<256x64xf32> -> vector<256x64xf32>
      %get3A_19 = arith.constant 0 : index
      %get3A_20 = arith.constant 0 : index
      %get3A_21 = vector.load %arg8[%get3A_19, %get3A_20] : memref<1x64xf32, #tpu.memory_space<vmem>>, vector<1x64xf32>
      %add3A = vector.broadcast %get3A_21 : vector<1x64xf32> to vector<256x64xf32>
      %add3A_22 = arith.addf %dot_general3A_18, %add3A : vector<256x64xf32>
      %get3A_23 = arith.constant 0 : index
      %get3A_24 = arith.constant 0 : index
      %get3A_25 = vector.load %arg6[%get3A_23, %get3A_24] : memref<256x4096xf32, #tpu.memory_space<vmem>>, vector<256x4096xf32>
      %get3A_26 = arith.constant 0 : index
      %get3A_27 = arith.constant 0 : index
      %get3A_28 = vector.load %arg9[%get3A_26, %get3A_27] : memref<64x4096xf32, #tpu.memory_space<vmem>>, vector<64x4096xf32>
      %get3A_29 = arith.constant 0 : index
      %get3A_30 = arith.constant 0 : index
      %get3A_31 = vector.load %arg10[%get3A_29, %get3A_30] : memref<4096x64xf32, #tpu.memory_space<vmem>>, vector<4096x64xf32>
      %get3A_32 = arith.constant 0 : index
      %get3A_33 = arith.constant 0 : index
      %get3A_34 = vector.load %arg11[%get3A_32, %get3A_33] : memref<1x64xf32, #tpu.memory_space<vmem>>, vector<1x64xf32>
      %dot_general3A_35 = arith.constant dense<0.000000e+00> : vector<256x4096xf32>
      %dot_general3A_36 = tpu.matmul %add3A_22, %get3A_28, %dot_general3A_35 {dimension_numbers = #tpu.dot_dimension_numbers<[1], [0], [0], [1], [0, 0, 1, 1], [], []>, transpose_lhs_hint = false} : vector<256x64xf32>, vector<64x4096xf32>, vector<256x4096xf32> -> vector<256x4096xf32>
      %mul3A = arith.mulf %dot_general3A_36, %get3A_25 : vector<256x4096xf32>
      %dot_general3A_37 = arith.constant dense<0.000000e+00> : vector<256x64xf32>
      %dot_general3A_38 = tpu.matmul %mul3A, %get3A_31, %dot_general3A_37 {dimension_numbers = #tpu.dot_dimension_numbers<[1], [0], [0], [1], [0, 0, 1, 1], [], []>, transpose_lhs_hint = false} : vector<256x4096xf32>, vector<4096x64xf32>, vector<256x64xf32> -> vector<256x64xf32>
      %add3A_39 = vector.broadcast %get3A_34 : vector<1x64xf32> to vector<256x64xf32>
      %add3A_40 = arith.addf %dot_general3A_38, %add3A_39 : vector<256x64xf32>
      %swap3A = arith.constant 0 : index
      %swap3A_41 = arith.constant 0 : index
      %swap3A_42 = vector.load %arg13[%swap3A, %swap3A_41] : memref<256x64xf32, #tpu.memory_space<vmem>>, vector<256x64xf32>
      tpu.vector_store %arg13[%swap3A, %swap3A_41], %add3A_40 {strides = array<i32>} : memref<256x64xf32, #tpu.memory_space<vmem>>, vector<256x64xf32>,
      %sub3A = arith.constant 64 : i32
      %sub3A_43 = arith.subi %arg0, %sub3A : i32
      %mul3A_44 = arith.constant 256 : i32
      %mul3A_45 = arith.muli %sub3A_43, %mul3A_44 : i32
      %scan3A = arith.constant 0 : i32
      %scan3A_46 = arith.constant 256 : i32
      %scan3A_47 = arith.addi %scan3A, %scan3A_46 : i32
      %scan3A_48 = arith.constant 1 : i32
      scf.for %scan3A_50 = %scan3A to %scan3A_47 step %scan3A_48  : i32 {
        %add3A_51 = arith.addi %mul3A_45, %scan3A_50 : i32
        %get3A_52 = arith.index_cast %add3A_51 : i32 to index
        %get3A_53 = memref.load %arg1[%get3A_52] : memref<4096xi32, #tpu.memory_space<smem>>
        %get3A_54 = arith.index_cast %scan3A_50 : i32 to index
        %get3A_55 = arith.constant 0 : index
        %get3A_56 = vector.load %arg13[%get3A_54, %get3A_55] : memref<256x64xf32, #tpu.memory_space<vmem>>, vector<1x64xf32>
        %swap3A_57 = arith.index_cast %get3A_53 : i32 to index
        %swap3A_58 = arith.constant 0 : index
        %swap3A_59 = vector.load %arg12[%swap3A_57, %swap3A_58] : memref<16384x64xf32, #tpu.memory_space<vmem>>, vector<1x64xf32>
        tpu.vector_store %arg12[%swap3A_57, %swap3A_58], %get3A_56 {strides = array<i32>} : memref<16384x64xf32, #tpu.memory_space<vmem>>, vector<1x64xf32>,
      }
      %scan3A_49 = arith.constant 256 : i32
    } else {
    }
    return
  }
  func.func @transform_0(%arg0: i32) -> i32 {
    %c0_i32 = arith.constant 0 : i32
    %c0_i32_0 = arith.constant 0 : i32
    return %c0_i32 : i32
  }
  func.func @transform_1(%arg0: i32) -> (i32, i32) {
    %min3A = arith.constant 63 : i32
    %min3A_0 = arith.minsi %arg0, %min3A : i32
    %c0_i32 = arith.constant 0 : i32
    %c0_i32_1 = arith.constant 0 : i32
    return %min3A_0, %c0_i32 : i32, i32
  }
  func.func @transform_2(%arg0: i32) -> (i32, i32) {
    %min3A = arith.constant 63 : i32
    %min3A_0 = arith.minsi %arg0, %min3A : i32
    %c0_i32 = arith.constant 0 : i32
    %c0_i32_1 = arith.constant 0 : i32
    return %min3A_0, %c0_i32 : i32, i32
  }
  func.func @transform_3(%arg0: i32) -> (i32, i32) {
    %sub3A = arith.constant 64 : i32
    %sub3A_0 = arith.subi %arg0, %sub3A : i32
    %max3A = arith.constant 0 : i32
    %max3A_1 = arith.maxsi %sub3A_0, %max3A : i32
    %c0_i32 = arith.constant 0 : i32
    %c0_i32_2 = arith.constant 0 : i32
    return %max3A_1, %c0_i32 : i32, i32
  }
  func.func @transform_4(%arg0: i32) -> (i32, i32) {
    %sub3A = arith.constant 64 : i32
    %sub3A_0 = arith.subi %arg0, %sub3A : i32
    %max3A = arith.constant 0 : i32
    %max3A_1 = arith.maxsi %sub3A_0, %max3A : i32
    %c0_i32 = arith.constant 0 : i32
    %c0_i32_2 = arith.constant 0 : i32
    return %max3A_1, %c0_i32 : i32, i32
  }
  func.func @transform_5(%arg0: i32) -> (i32, i32) {
    %sub3A = arith.constant 64 : i32
    %sub3A_0 = arith.subi %arg0, %sub3A : i32
    %max3A = arith.constant 0 : i32
    %max3A_1 = arith.maxsi %sub3A_0, %max3A : i32
    %c0_i32 = arith.constant 0 : i32
    %c0_i32_2 = arith.constant 0 : i32
    return %max3A_1, %c0_i32 : i32, i32
  }
  func.func @transform_6(%arg0: i32) -> (i32, i32) {
    %c0_i32 = arith.constant 0 : i32
    %c0_i32_0 = arith.constant 0 : i32
    %c0_i32_1 = arith.constant 0 : i32
    return %c0_i32, %c0_i32_0 : i32, i32
  }
  func.func @transform_7(%arg0: i32) -> (i32, i32) {
    %c0_i32 = arith.constant 0 : i32
    %c0_i32_0 = arith.constant 0 : i32
    %c0_i32_1 = arith.constant 0 : i32
    return %c0_i32, %c0_i32_0 : i32, i32
  }
  func.func @transform_8(%arg0: i32) -> (i32, i32) {
    %c0_i32 = arith.constant 0 : i32
    %c0_i32_0 = arith.constant 0 : i32
    %c0_i32_1 = arith.constant 0 : i32
    return %c0_i32, %c0_i32_0 : i32, i32
  }
  func.func @transform_9(%arg0: i32) -> (i32, i32) {
    %c0_i32 = arith.constant 0 : i32
    %c0_i32_0 = arith.constant 0 : i32
    %c0_i32_1 = arith.constant 0 : i32
    return %c0_i32, %c0_i32_0 : i32, i32
  }
  func.func @transform_10(%arg0: i32) -> (i32, i32) {
    %c0_i32 = arith.constant 0 : i32
    %c0_i32_0 = arith.constant 0 : i32
    %c0_i32_1 = arith.constant 0 : i32
    return %c0_i32, %c0_i32_0 : i32, i32
  }
  func.func @transform_11(%arg0: i32) -> (i32, i32) {
    %c0_i32 = arith.constant 0 : i32
    %c0_i32_0 = arith.constant 0 : i32
    %c0_i32_1 = arith.constant 0 : i32
    return %c0_i32, %c0_i32_0 : i32, i32
  }
}

</mosaic_0001>

<sc_bundles>
// kernel: kernel.4.cloned.1.call-start
scs
__scs_entry_jumppad:
0x0: {  	(pc) =	sbr.rel $0x88, $3  }
0x1: {  	(tag) =	ssettag $0x0;
	lr =	simm.s32 $0x1  }
0x2: {  	[smem:$0x3F99] =	sst lr;
	_ =	strace $0xD0000000  }
0x3: {  	_ = 	snop  }
0x4: {  	_ = 	snop  }
0x5: {  	_ = 	snop  }
0x6: {  	_ = 	snop  }
0x7: {  	_ = 	snop  }
__scs_overlays_trampoline_lowered:
0x8: {  	[smem:$0x3FA8] =	sst s0  }
0x9: {  	[smem:$0x3FA9] =	sst s1  }
0xa: {  	[smem:$0x3FAA] =	sst s2  }
0xb: {  	[smem:$0x3FAB] =	sst s3  }
0xc: {  	[smem:$0x3FAC] =	sst s4  }
0xd: {  	[smem:$0x3FAD] =	sst s5  }
0xe: {  	[smem:$0x3FAE] =	sst s6  }
0xf: {  	[smem:$0x3FAF] =	sst s7  }
0x10: {  	[smem:$0x3FB0] =	sst s8  }
0x11: {  	[smem:$0x3FB1] =	sst s9;
	s0 =	simm.s32 @!p0 $0x0  }
0x12: {  	s1 =	sld [smem:$0x3F97];
	s0 =	simm.s32 @p0 $0x1  }
0x13: {  	[smem:$0x3FB2] =	sst s0;
	s0 =	simm.s32 @!p1 $0x0  }
0x14: {  	s2 =	sld [smem:$0x3F96];
	s0 =	simm.s32 @p1 $0x1  }
0x15: {  	[smem:$0x3FB3] =	sst s0;
	s0 =	simm.s32 @!p2 $0x0  }
0x16: {  	s3 =	sld [smem:$0x3FDB];
	s0 =	simm.s32 @p2 $0x1  }
0x17: {  	s4 =	simm.s32 $0x1BF5;
	[smem:$0x3FB5] =	sst s0  }
0x18: {  	s0 =	sld [smem:$0x3F98];
	_ =	swait.ge [sflag:s4], $0x0  }
0x19: {  	s7 =	sld [smem:$0x3F99]  }
0x1a: {  	s8 =	sadd.s32 $0xFFFFE003, lr  }
0x1b: {  	s9 =	sadd.s32 $0xFFFFFEF7, lr;
	s5 =	simm.s32 $0xFFFFFFFF;
	p2 =	slt.u32 s8, $0xFFFFF086  }
0x1c: {  	p1 =	slt.u32 s9, $0xF7A;
	s5 =	simm.s32 @!p2 $0x0  }
0x1d: {  	s5 =	simm.s32 @p1 $0x1;
	p0 =	seq.s32 s7, s2  }
0x1e: {  	s7 =	smul.u32 @!p0 $0xF7A, s2;
	p2 =	seq.s32 @!p0 s5, $0x0  }
0x1f: {  	s9 =	smul.u32 $0xF7A, s1;
	s8 =	simm.s32 @!p0 $0x1BF5;
	p2 =	por !p2, p0  }
0x20: {  	[sflag:s8] =	ssyncset.s32 @!p0 $0xFFFFF086;
	s6 =	sadd.s32 @!p0 s3, s7;
	s7 =	simm.s32 @!p0 $0x108  }
0x21: {  	s3 =	sadd.s32 s3, s9;
	s6 =	sadd.s32 @!p0 $0x88, s6;
	s7 =	simm.s32 @p2 $0x1082  }
0x22: {  	[simem:s7], [sflag:s8] =	dma.local @!p0 [hbm:s6], $0xF7A  }
0x23: {  	s9 =	sor.u32 $0xD0000000, s2;
	s6 =	simm.s32 $0x108;
	_ =	swait.ge @!p0 [sflag:s8], $0x0  }
0x24: {  	s3 =	sadd.s32 $0x88, s3;
	s6 =	simm.s32 @!p1 $0x1082;
	[sflag:s4] =	ssyncset.s32 $0xFFFFF086  }
0x25: {  	[simem:s6], [sflag:s4] =	dma.local [hbm:s3], $0xF7A  }
0x26: {  	[smem:$0x3F99] =	sst s1;
	(tag) =	ssettag s2;
	_ =	strace s9  }
0x27: {  	s1 =	sld [smem:$0x3FA9]  }
0x28: {  	s2 =	sld [smem:$0x3FAA]  }
0x29: {  	s4 =	sld [smem:$0x3FAC]  }
0x2a: {  	p0 =	seq.s32 s5, $0x0;
	s5 =	sld [smem:$0x3FAD]  }
0x2b: {  	s6 =	sld [smem:$0x3FAE]  }
0x2c: {  	s7 =	sld [smem:$0x3FAF]  }
0x2d: {  	s3 =	simm.s32 $0x108;
	s8 =	sld [smem:$0x3FB0]  }
0x2e: {  	s3 =	simm.s32 @!p0 $0x1082;
	s9 =	sld [smem:$0x3FB1]  }
0x2f: {  	lr =	sadd.s32 s0, s3;
	s0 =	sld [smem:$0x3FA8]  }
0x30: {  	s3 =	sld [smem:$0x3FAB]  }
0x31: {  	[smem:$0x3FB4] =	sst s10  }
0x32: {  	s10 =	sld [smem:$0x3FB2];
	_ =	sdelay $0x3  }
0x33: {  	p0 =	seq.s32 s10, $0x1;
	s10 =	sld [smem:$0x3FB4];
	_ =	sdelay $0x3  }
0x34: {  	[smem:$0x3FB4] =	sst s10  }
0x35: {  	s10 =	sld [smem:$0x3FB3];
	_ =	sdelay $0x3  }
0x36: {  	p1 =	seq.s32 s10, $0x1;
	s10 =	sld [smem:$0x3FB4];
	_ =	sdelay $0x3  }
0x37: {  	[smem:$0x3FB4] =	sst s10  }
0x38: {  	s10 =	sld [smem:$0x3FB5]  }
0x39: {  	_ = 	snop;
	(pc) =	sbr.ind lr, $3  }
0x3a: {  	_ = 	snop  }
0x3b: {  	_ = 	snop  }
0x3c: {  	p2 =	seq.s32 s10, $0x1;
	s10 =	sld [smem:$0x3FB4]  }
0x3d: {  	_ =	shalt  }
0x3e: {  	_ =	shalt  }
0x3f: {  	_ =	shalt  }
0x40: {  	_ =	shalt  }
0x41: {  	_ =	shalt  }
0x42: {  	_ =	shalt  }
0x43: {  	_ =	shalt  }
0x44: {  	_ =	shalt  }
0x45: {  	_ =	shalt  }
0x46: {  	_ =	shalt  }
0x47: {  	_ =	shalt  }
0x48: {  	_ =	shalt  }
0x49: {  	_ =	shalt  }
0x4a: {  	_ =	shalt  }
0x4b: {  	_ =	shalt  }
0x4c: {  	_ =	shalt  }
0x4d: {  	_ =	shalt  }
0x4e: {  	_ =	shalt  }
0x4f: {  	_ =	shalt  }
0x50: {  	_ =	shalt  }
0x51: {  	_ =	shalt  }
0x52: {  	_ =	shalt  }
0x53: {  	_ =	shalt  }
0x54: {  	_ =	shalt  }
0x55: {  	_ =	shalt  }
0x56: {  	_ =	shalt  }
0x57: {  	_ =	shalt  }
0x58: {  	_ =	shalt  }
0x59: {  	_ =	shalt  }
0x5a: {  	_ =	shalt  }
0x5b: {  	_ =	shalt  }
0x5c: {  	_ =	shalt  }
0x5d: {  	_ =	shalt  }
0x5e: {  	_ =	shalt  }
0x5f: {  	_ =	shalt  }
0x60: {  	_ =	shalt  }
0x61: {  	_ =	shalt  }
0x62: {  	_ =	shalt  }
0x63: {  	_ =	shalt  }
0x64: {  	_ =	shalt  }
0x65: {  	_ =	shalt  }
0x66: {  	_ =	shalt  }
0x67: {  	_ =	shalt  }
0x68: {  	_ =	shalt  }
0x69: {  	_ =	shalt  }
0x6a: {  	_ =	shalt  }
0x6b: {  	_ =	shalt  }
0x6c: {  	_ =	shalt  }
0x6d: {  	_ =	shalt  }
0x6e: {  	_ =	shalt  }
0x6f: {  	_ =	shalt  }
0x70: {  	_ =	shalt  }
0x71: {  	_ =	shalt  }
0x72: {  	_ =	shalt  }
0x73: {  	_ =	shalt  }
0x74: {  	_ =	shalt  }
0x75: {  	_ =	shalt  }
0x76: {  	_ =	shalt  }
0x77: {  	_ =	shalt  }
0x78: {  	_ =	shalt  }
0x79: {  	_ =	shalt  }
0x7a: {  	_ =	shalt  }
0x7b: {  	_ =	shalt  }
0x7c: {  	_ =	shalt  }
0x7d: {  	_ =	shalt  }
0x7e: {  	_ =	shalt  }
0x7f: {  	_ =	shalt  }
0x80: {  	_ =	shalt  }
0x81: {  	_ =	shalt  }
0x82: {  	_ =	shalt  }
0x83: {  	_ =	shalt  }
0x84: {  	_ =	shalt  }
0x85: {  	_ =	shalt  }
0x86: {  	_ =	shalt  }
0x87: {  	_ =	shalt  }
.Lfunc_end0:
.L_simem_size_0:
called_computation_lowered:
.L_overlay_start_0:
0x88: {  	s2 =	sld [smem:$0x3FD9]  }
0x89: {  	s3 =	sld [smem:$0x3FFE];
	_ =	sdelay $0x1  }
0x8a: {  	s1 =	srdreg.scid  }
0x8b: {  	s0 =	sand.u32 $0x1, s1  }
0x8c: {  	s17 =	sshll.u32 s0, $0xA;
	s2 =	sadd.s32 s3, s2  }
0x8d: {  	s2 =	sadd.s32 s2, s17  }
0x8e: {  	[smem:$0x3FC0] =	sst s2  }
0x8f: {  	_ = 	snop  }
0x90: {  	s2 =	sld [smem:$0x3FD0];
	(tm) =	ssettm $0x1  }
0x91: {  	s18 =	sld [smem:$0x3FFB];
	_ =	sdelay $0x3  }
0x92: {  	_ =	strace s18  }
0x93: {  	s3 =	sld [smem:$0x3FFC];
	_ =	sdelay $0x3  }
0x94: {  	_ =	strace s3  }
0x95: {  	s3 =	sld [smem:$0x3FFD];
	_ =	sdelay $0x3  }
0x96: {  	_ =	strace s3  }
0x97: {  	_ =	strace $0x8FFFFFFF  }
0x98: {  	s19 =	sld [smem:$0x3FDB];
	_ =	sdelay $0x1  }
0x99: {  	s4 =	simm.s32 $_scs_section_size  }
0x9a: {  	s5 =	simm.s32 $_size__tile_overlayer_lowered;
	s6 =	simm.s32 $_tile_overlayer_lowered  }
0x9b: {  	s22 =	simm.s32 $0x1BFF;
	s21 =	sshll.u32 s6, $0x1;
	s3 =	sadd.s32 s4, s19  }
0x9c: {  	s7 =	simm.s32 $0x0;
	s20 =	sshll.u32 s5, $0x1;
	s5 =	sadd.s32 s21, s3  }
0x9d: {  	[timem:s7], [sflag:s22] =	dma.local [hbm:s5], s20  }
0x9e: {  	_ =	swait.ge [sflag:s22], s20  }
0x9f: {  	s4 =	ssub.s32 $0x0, s20;
	[sflag:s22] =	ssyncset.done $0x0  }
0xa0: {  	[sflag:s22] =	ssyncadd.s32 s4;
	_ =	sdelay $0x1  }
0xa1: {  	s23 =	simm.s32 $0x1B8B  }
0xa2: {  	_ =	swait.ge [sflag:s23], $0x1  }
0xa3: {  	[sflag:s23] =	ssyncset.done $0x0  }
0xa4: {  	s25 =	simm.s32 $0x1B8E;
	s24 =	sld [smem:$0x3FFE];
	[sflag:s23] =	ssyncadd.s32 $0xFFFFFFFF  }
0xa5: {  	s26 =	simm.s32 $execute0_lowered;
	[smem:$0x3FD2] =	sst s25  }
0xa6: {  	s5 =	sshll.u32 s26, $0x1;
	_ =	strace $0x80000046;
	[dreg:$0x1] =	wrdreg $0xFFFFFFFF  }
0xa7: {  	s28 =	simm.s32 $_size_execute0_lowered;
	s3 =	sadd.s32 s3, s5;
	[dreg:$0x0] =	wrdreg $0x0  }
0xa8: {  	s5 =	sshll.u32 s28, $0x1;
	[dreg:$0x2] =	wrdreg s3  }
0xa9: {  	[dreg:$0x3] =	wrdreg s5  }
0xaa: {  	[dreg:$0x4] =	wrdreg $0xC0  }
0xab: {  	_ =	task [dreg:s7], $0x5FFFF  }
0xac: {  	[dreg:$0x1] =	wrdreg $0xFFFFFFFF  }
0xad: {  	[dreg:$0x0] =	wrdreg $0x60  }
0xae: {  	[dreg:$0x2] =	wrdreg s2  }
0xaf: {  	[dreg:$0x3] =	wrdreg s24  }
0xb0: {  	[dreg:$0x4] =	wrdreg $0x9  }
0xb1: {  	_ =	task.clear_ibuf [dreg:s7], $0x5FFFF;
	_ =	strace $0x90000046  }
0xb2: {  	s29 =	simm.s32 $0x9;
	_ =	strace $0x80000048  }
0xb3: {  	_ =	swait.ge [sflag:s29], $0x1  }
0xb4: {  	[sflag:s29] =	ssyncadd.s32 $0xFFFFFFFF  }
0xb5: {  	_ =	strace $0x90000048  }
0xb6: {  	_ =	sfence  }
0xb7: {  	s30 =	sld [smem:$0x0];
	_ =	sdelay $0x2  }
0xb8: {  	s31 =	sshll.u32 s1, $0xD;
	s1 =	sshrl.u32 s1, $0x2  }
0xb9: {  	s3 =	sand.u32 $0x4000, s31;
	s1 =	sadd.s32 s1, s30  }
0xba: {  	s0 =	sor.u32 s3, s0;
	s1 =	sshll.u32 s1, $0x11  }
0xbb: {  	s0 =	sor.u32 s1, s0  }
0xbc: {  	s0 =	sadd.s32 $0x8F2B, s0  }
0xbd: {  	[sflag:s0] =	ssyncadd.remote.s32 $0x1  }
0xbe: {  	_ =	sfence.sel $0xFFFF  }
0xbf: {  	[dreg:$0x0] =	wrdreg $0xFFFFFFFF;
	(pc) =	sbr.abs _section_cstart, $3  }
0xc0: {  	[dreg:$0x1] =	wrdreg $0xFFFFFFFF  }
0xc1: {  	_ =	task.clear_ibuf [dreg:s7], $0x2FFFF;
	_ =	strace $0x9FFFFFFF  }
0xc2: {  	(tm) =	ssettm $0x7FFFFFFF  }
0xc3: {  	_ =	shalt  }
tec
execute0_lowered:
.L_overlay_start_1:
0x0: {  	(tag) =	ssettag $0x1  }
0x1: {  	s1 =	srdreg.scid  }
0x2: {  	s0 =	stileid.u32;
	s6 =	sand.u32 $0x1, s1  }
0x3: {  	s2 =	rddreg [dreg:$0x0];
	s30 =	sshll.u32 s0, $0x8;
	s3 =	sshll.u32 s6, $0x7  }
0x4: {  	s8 =	rddreg [dreg:$0x1];
	s7 =	simm.s32 $0x1;
	s9 =	sor.u32 s3, s30  }
0x5: {  	s1 =	rddreg [dreg:$0x2];
	s3 =	simm.s32 $0x0;
	s4 =	sshrl.u32 s9, $0x3  }
0x6: {  	s10 =	ssub.s32 $0x2, s6;
	[smem:$0x7FF] =	sst s3;
	s4 =	sadd.s32 s4, s8  }
0x7: {  	_ =	strace $0x80000047;
	s5 =	sadd.s32 $0x1800, s4;
	s4 =	simm.s32 $0x2  }
0x8: {  	[tilespmem:s3], [sflag:$0x2] =	stream.linear.gather [hbm4b:s5+s3], $0x80, $0x38;
	[tilespmem:$0x4080] =	vst v63  }
0x9: {  	s6 =	simm.s32 $0x80;
	s11 =	sshrl.u32 s10, $0x1;
	_ =	swait.ge [sflag:s4], $0x80  }
0xa: {  	s9 =	sshll.u32 s9, $0x4;
	s31 =	ssub.s32 s10, s11;
	[sflag:s4] =	ssyncset.done $0x0  }
0xb: {  	s8 =	sadd.s32 s9, s8;
	s9 =	smax.u32 s31, $0x1;
	[sflag:s4] =	ssyncadd.s32 $0xFFFFFF80  }
0xc: {  	[tilespmem:s6], [sflag:$0x1] =	stream.indirect.gather [hbm4b:s2+s6], $0x80, s3, s6, $0xb8;
	[tilespmem:$0x4080] =	vst v63  }
0xd: {  	p0 =	sne.s32 s9, $0x1;
	_ =	swait.ge [sflag:s7], $0x4000  }
.Ltmp0:
0xe: {  	[sflag:s7] =	ssyncset.done $0x0;
	(pc) =	sbr.rel @!p0 .LBB2_2-.Ltmp0, $4  }
0xf: {  	s8 =	sadd.s32 $0x41A00, s8;
	[sflag:s7] =	ssyncadd.s32 $0xFFFFC000  }
0x10: {  	[hbm4b:s8+s3] =	stream.linear.scatter [tilespmem:s6], [sflag:$0x2], $0x4000, $0x38;
	[tilespmem:$0x4080] =	vst v63  }
0x11: {  	_ =	swait.ge [sflag:s4], $0x4000  }
0x12: {  	s9 =	sadd.s32 $0xFFFFFFFF, s9;
	[sflag:s4] =	ssyncset.done $0x0  }
.LBB2_1:
0x13: {  	p0 =	sne.s32 s9, $0x1;
	s9 =	sadd.s32 $0xFFFFFFFF, s9;
	[sflag:s4] =	ssyncadd.s32 $0xFFFFC000  }
0x14: {  	[tilespmem:s3], [sflag:$0x2] =	stream.linear.gather [hbm4b:s5+s3], $0x80, $0x38;
	[tilespmem:$0x4080] =	vst v63  }
0x15: {  	_ =	swait.ge [sflag:s4], $0x80  }
0x16: {  	[sflag:s4] =	ssyncset.done $0x0  }
0x17: {  	[sflag:s4] =	ssyncadd.s32 $0xFFFFFF80  }
0x18: {  	[tilespmem:s6], [sflag:$0x1] =	stream.indirect.gather [hbm4b:s2+s6], $0x80, s3, s6, $0xb8;
	[tilespmem:$0x4080] =	vst v63  }
0x19: {  	_ =	swait.ge [sflag:s7], $0x4000  }
.Ltmp1:
0x1a: {  	[sflag:s7] =	ssyncset.done $0x0;
	(pc) =	sbr.rel @p0 .LBB2_1-.Ltmp1, $4  }
0x1b: {  	[sflag:s7] =	ssyncadd.s32 $0xFFFFC000  }
0x1c: {  	[hbm4b:s8+s3] =	stream.linear.scatter [tilespmem:s6], [sflag:$0x2], $0x4000, $0x38;
	[tilespmem:$0x4080] =	vst v63  }
0x1d: {  	_ =	swait.ge [sflag:s4], $0x4000  }
0x1e: {  	[sflag:s4] =	ssyncset.done $0x0  }
.LBB2_2:
0x1f: {  	[sflag:s4] =	ssyncadd.s32 $0xFFFFC000  }
0x20: {  	_ =	sfence.sel $0x180000  }
0x21: {  	[bflag:$0x0] =	sbarrier.arrive $0xFFFF  }
0x22: {  	p0 =	sne.s32 s0, $0x0;
	_ =	strace $0x90000047  }
0x23: {  	s0 =	sadd.s32 @!p0 $0x100000, s1;
	[bflag:$0x2] =	sbarrier.arrive $0xFFFF  }
0x24: {  	[sflag:s0] =	ssyncadd.tile.s32 @!p0 $0x1;
	_ =	shalt  }
.Lfunc_end2:
_tile_overlayer_lowered:
.L_overlay_start_2:
0x25: {  	(tag) =	ssettag $0x2  }
0x26: {  	s0 =	rddreg [dreg:$0x0];
	s2 =	stileid.u32  }
0x27: {  	s1 =	rddreg [dreg:$0x1];
	p0 =	sne.s32 s2, $0x0  }
0x28: {  	s3 =	rddreg [dreg:$0x2];
	[bflag:$0x3] =	sbarrier.arrive $0xFFFF;
	s2 =	simm.s32 @!p0 $0x1C02  }
0x29: {  	[timem:s3], [sflag:s2] =	dma.local @!p0 [hbm:s0], s1  }
0x2a: {  	s0 =	simm.s32 @!p0 $0x2  }
0x2b: {  	_ =	swait.ge @!p0 [sflag:s0], s1  }
0x2c: {  	s1 =	ssub.s32 @!p0 $0x0, s1;
	[sflag:s0] =	ssyncset.done @!p0 $0x0  }
0x2d: {  	[sflag:s0] =	ssyncadd.s32 @!p0 s1  }
0x2e: {  	[bflag:$0x3] =	sbarrier.arrive $0xFFFF  }
0x2f: {  	_ =	shalt  }

</sc_bundles>
